<compile_context>
chip_gen: v7x
topology: tpu7x:2x2x1
jax: 0.10.2.dev20260603
libtpu: 0.0.44.dev20260713+nightly
codegen_flags: <defaults>
</compile_context>

<pallas_src>
import functools

import jax
import jax.numpy as jnp
import numpy as np
from jax import lax
from jax.experimental import pallas as pl
from jax.experimental.pallas import tpu as pltpu
from jax.experimental.pallas import tpu_sc as plsc

B = 1024
D = 64
NUM_GROUPS = 32
G = 8
HID = (D + 2 * D) // 2
Q_STD = float(np.sqrt(2.0 / D))
LOG_SIGMA = float(np.log(Q_STD))

_NW = 32
_BPW = B // _NW


def _sc_gather_body(idx_hbm, table_hbm, out_hbm, idx_v, rows_v, sem):
    wid = lax.axis_index("s") * 2 + lax.axis_index("c")
    base = wid * _BPW
    pltpu.sync_copy(idx_hbm.at[pl.ds(base, _BPW)], idx_v)
    for i in range(_BPW // 16):
        sl = pl.ds(i * 16, 16)
        idx_v[sl] = lax.shift_right_logical(idx_v[sl], 1)
    pltpu.async_copy(table_hbm.at[idx_v], rows_v, sem).wait()
    pltpu.sync_copy(rows_v, out_hbm.at[pl.ds(base, _BPW)])


@jax.jit
def _sc_gather(idx, table2):
    mesh = plsc.VectorSubcoreMesh(core_axis_name="c", subcore_axis_name="s")
    return pl.kernel(
        _sc_gather_body,
        mesh=mesh,
        out_type=jax.ShapeDtypeStruct((B, 2 * D), jnp.float32),
        scratch_types=[
            pltpu.VMEM((_BPW,), jnp.int32),
            pltpu.VMEM((_BPW, 2 * D), jnp.float32),
            pltpu.SemaphoreType.DMA,
        ],
    )(idx, table2)


def _sigmoid(x):
    return 1.0 / (1.0 + jnp.exp(-x))


def _dot(a, b):
    return jax.lax.dot(a, b, precision=jax.lax.Precision.HIGHEST,
                       preferred_element_type=jnp.float32)


def _tc_body(gi_ref, ii_ref, pair_ref, std_ref, u_ref, gemb_ref,
             w1t_ref, b1_ref, w2mut_ref, w2sgt_ref, b2mu_ref, b2sg_ref,
             a1mt_ref, a1it_ref, a1_ref, a2t_ref, a2_ref,
             p1at_ref, p1bt_ref, p1ct_ref, p1_ref, p2t_ref, p2_ref,
             y_ref, y2_ref, dkl_ref):
    relu = lambda x: jnp.maximum(x, 0.0)

    U = [u_ref[j] for j in range(G)]
    gsum = U[0]
    for j in range(1, G):
        gsum = gsum + U[j]
    group_z = relu(gsum * (1.0 / G))
    h = relu(_dot(group_z, w1t_ref[...]) + b1_ref[...])
    z_mu = _dot(h, w2mut_ref[...]) + b2mu_ref[...]
    z_sg = 0.1 + 0.9 * _sigmoid(_dot(h, w2sgt_ref[...]) + b2sg_ref[...])

    pair = pair_ref[...]
    odd = (ii_ref[...] & 1) == 1
    item = jnp.where(odd, pair[:, D:], pair[:, :D])
    ipart = _dot(item, a1it_ref[...]) + a1_ref[...]

    gi = gi_ref[...]
    gids = lax.broadcasted_iota(jnp.int32, (B, NUM_GROUPS), 1)
    onehot = (gi == gids).astype(jnp.float32)

    att_cols = []
    for j in range(G):
        mp = _dot(U[j], a1mt_ref[...])
        hj = relu(_dot(onehot, mp) + ipart)
        att_cols.append(_dot(hj, a2t_ref[...]))
    att = jnp.concatenate(att_cols, axis=1) + a2_ref[...]
    amax = jnp.max(att, axis=1, keepdims=True)
    aexp = jnp.exp(att - amax)
    w = aexp / jnp.sum(aexp, axis=1, keepdims=True)

    g_att = w[:, 0:1] * _dot(onehot, U[0])
    for j in range(1, G):
        g_att = g_att + w[:, j:j + 1] * _dot(onehot, U[j])

    gp = _dot(onehot, gemb_ref[...])
    zmu_b = _dot(onehot, z_mu)
    zsg_b = _dot(onehot, z_sg)
    std = std_ref[...]
    ge = g_att + gp + Q_STD * std
    ge2 = g_att + zmu_b + zsg_b * std

    def ncf(x):
        h1 = relu(_dot(x * item, p1at_ref[...]) + _dot(x, p1bt_ref[...])
                  + _dot(item, p1ct_ref[...]) + p1_ref[...])
        return _sigmoid(_dot(h1, p2t_ref[...]) + p2_ref[...])

    y_ref[...] = ncf(ge)
    y2_ref[...] = ncf(ge2)

    gvec = gemb_ref[...]
    t = (2.0 * jnp.log(z_sg) - 2.0 * LOG_SIGMA
         + (Q_STD * Q_STD) / (z_sg * z_sg)
         + ((gvec - z_mu) * (gvec - z_mu)) / (z_sg * z_sg) - 1.0)
    s = jnp.sum(0.5 * t, axis=1, keepdims=True)
    counts = jnp.sum(onehot, axis=0, keepdims=True)
    dkl_ref[...] = _dot(counts, s) * (1.0 / B)


@functools.partial(jax.jit, static_argnums=())
def _tc_call(gi, ii2, pair_rows, std, u8, group_emb,
             w1t, b1, w2mut, w2sgt, b2mu, b2sg,
             a1mt, a1it, a1, a2t, a2, p1at, p1bt, p1ct, p1, p2t, p2):
    return pl.pallas_call(
        _tc_body,
        out_shape=(
            jax.ShapeDtypeStruct((B, 1), jnp.float32),
            jax.ShapeDtypeStruct((B, 1), jnp.float32),
            jax.ShapeDtypeStruct((1, 1), jnp.float32),
        ),
    )(gi, ii2, pair_rows, std, u8, group_emb,
      w1t, b1, w2mut, w2sgt, b2mu, b2sg,
      a1mt, a1it, a1, a2t, a2, p1at, p1bt, p1ct, p1, p2t, p2)


def kernel(group_inputs, item_inputs, is_training, user_emb, item_emb,
           group_emb, W1, b1, W2, b2, A1, a1, A2, a2, P1, p1, P2, p2):
    gi = group_inputs.astype(jnp.int32).reshape(B, 1)
    ii = item_inputs.astype(jnp.int32)

    table2 = item_emb.reshape(-1, 2 * D)
    pair_rows = _sc_gather(ii, table2)

    u8 = user_emb[:NUM_GROUPS * G].reshape(NUM_GROUPS, G, D).swapaxes(0, 1)
    std = jax.random.normal(jax.random.key(1), (B, D), dtype=jnp.float32)

    w1t = W1.T
    w2mut = W2[:D].T
    w2sgt = W2[D:].T
    a1mt = A1[:, :D].T
    a1it = A1[:, D:].T
    p1at = P1[:, :D].T
    p1bt = P1[:, D:2 * D].T
    p1ct = P1[:, 2 * D:].T

    y, y2, dkl = _tc_call(
        gi, ii.reshape(B, 1), pair_rows, std, u8, group_emb,
        w1t, b1.reshape(1, HID), w2mut, w2sgt,
        b2[:D].reshape(1, D), b2[D:].reshape(1, D),
        a1mt, a1it, a1.reshape(1, 16), A2.T, a2.reshape(1, 1),
        p1at, p1bt, p1ct, p1.reshape(1, G), P2.T, p2.reshape(1, 1))
    return y, y2, dkl.reshape(())

# --- scband reference (transcript-rebuilt; emitter-appended) ---
"""Pipeline reference for scband-vargr-agree3-20091857010787 (READ-ONLY COPY).

The authoritative reference and input builder live on the scoring server;
editing this copy changes nothing except your own understanding.
"""

import jax, jax.numpy as jnp
import numpy as np

B = 1024
D = 64
NUM_USERS = 1000000
NUM_ITEMS = 1000000
NUM_GROUPS = 32
G = 8
HID = (D + 2 * D) // 2
Q_STD = float(np.sqrt(2.0 / D))


def setup_inputs(seed: int = 0):
    key = jax.random.key(seed)
    ks = jax.random.split(key, 16)
    s = float(np.sqrt(2.0 / D))
    inp = {}
    inp['group_inputs'] = jax.random.randint(ks[0], (B,), 0, NUM_GROUPS)
    inp['item_inputs'] = jax.random.randint(ks[1], (B,), 0, NUM_ITEMS)
    inp['is_training'] = 1
    inp['user_emb'] = jax.random.normal(ks[2], (NUM_USERS, D), dtype=jnp.float32) * s
    inp['item_emb'] = jax.random.normal(ks[3], (NUM_ITEMS, D), dtype=jnp.float32) * s
    inp['group_emb'] = jax.random.normal(ks[4], (NUM_GROUPS, D), dtype=jnp.float32) * s
    inp['W1'] = jax.random.normal(ks[5], (HID, D), dtype=jnp.float32) * float(np.sqrt(2.0 / D))
    inp['b1'] = jnp.zeros((HID,), jnp.float32)
    inp['W2'] = jax.random.normal(ks[6], (2 * D, HID), dtype=jnp.float32) * float(np.sqrt(2.0 / HID))
    inp['b2'] = jnp.zeros((2 * D,), jnp.float32)
    inp['A1'] = jax.random.normal(ks[7], (16, 2 * D), dtype=jnp.float32) * float(np.sqrt(2.0 / (2 * D)))
    inp['a1'] = jnp.zeros((16,), jnp.float32)
    inp['A2'] = jax.random.normal(ks[8], (1, 16), dtype=jnp.float32) * float(np.sqrt(2.0 / 16))
    inp['a2'] = jnp.zeros((1,), jnp.float32)
    inp['P1'] = jax.random.normal(ks[9], (8, 3 * D), dtype=jnp.float32) * float(np.sqrt(2.0 / (3 * D)))
    inp['p1'] = jnp.zeros((8,), jnp.float32)
    inp['P2'] = jax.random.normal(ks[10], (1, 8), dtype=jnp.float32) * float(np.sqrt(2.0 / 8))
    inp['p2'] = jnp.zeros((1,), jnp.float32)
    return inp


def _forward(group_inputs, item_inputs, user_emb, item_emb, group_emb, W1, b1, W2, b2, A1, a1, A2, a2, P1, p1, P2, p2):
    # group_member_dict[i] = [8*i, ..., 8*i+7]
    member_table = jnp.arange(NUM_GROUPS * G, dtype=jnp.int32).reshape(NUM_GROUPS, G)
    member_ids = jnp.take(member_table, group_inputs, axis=0)          # [B, G]
    members_embeds = jnp.take(user_emb, member_ids, axis=0)            # [B, G, D] gather
    # group_encoder MLP on relu(mean(members))
    group_z = jax.nn.relu(jnp.mean(members_embeds, axis=1))            # [B, D]
    h = jax.nn.relu(group_z @ W1.T + b1)
    gz = h @ W2.T + b2                                                 # [B, 2D]
    z_mu = gz[:, :D]
    z_sigma = 0.1 + 0.9 * jax.nn.sigmoid(gz[:, D:])
    item_embeds_full = jnp.take(item_emb, item_inputs, axis=0)         # [B, D] gather
    item_b = jnp.broadcast_to(item_embeds_full[:, None, :], (B, G, D))
    gie = jnp.concatenate([members_embeds, item_b], axis=-1)           # [B, G, 2D]
    att = jax.nn.relu(gie @ A1.T + a1) @ A2.T + a2                     # [B, G, 1]
    w = jax.nn.softmax(att.reshape(B, G), axis=1)                      # per-group softmax
    g_att = jnp.einsum('bg,bgd->bd', w, members_embeds)                # attention pooling
    std = jax.random.normal(jax.random.key(1), (B, D), dtype=jnp.float32)
    gp = jnp.take(group_emb, group_inputs, axis=0)                     # [B, D] gather
    ge = g_att + gp + Q_STD * std
    ge2 = g_att + z_mu + z_sigma * std
    ncf1 = jnp.concatenate([ge * item_embeds_full, ge, item_embeds_full], axis=-1)
    y = jax.nn.sigmoid(jax.nn.relu(ncf1 @ P1.T + p1) @ P2.T + p2)
    ncf2 = jnp.concatenate([ge2 * item_embeds_full, ge2, item_embeds_full], axis=-1)
    y2 = jax.nn.sigmoid(jax.nn.relu(ncf2 @ P1.T + p1) @ P2.T + p2)
    sigma = Q_STD
    t = (2.0 * jnp.log(z_sigma) - 2.0 * float(np.log(sigma))
         + (sigma ** 2) / (z_sigma ** 2)
         + ((gp - z_mu) ** 2) / (z_sigma ** 2) - 1.0)
    dkl = jnp.mean(jnp.sum(0.5 * t, axis=-1, keepdims=True))
    return y, y2, dkl


def reference(group_inputs, item_inputs, is_training, user_emb, item_emb, group_emb, W1, b1, W2, b2, A1, a1, A2, a2, P1, p1, P2, p2):
    return _forward(group_inputs, item_inputs, user_emb, item_emb, group_emb, W1, b1, W2, b2, A1, a1, A2, a2, P1, p1, P2, p2)

if __name__ == "__main__":
    import jax
    _d = setup_inputs()
    print(jax.jit(kernel)(*tuple(_d.values())))

</pallas_src>

<mosaic_0001>
#map = affine_map<(d0, d1) -> (0)>
#map1 = affine_map<(d0, d1) -> (0, 0)>
module attributes {stable_mosaic.version = 14 : i64} {
  func.func @_sc_gather_body(%arg0: i32, %arg1: i32, %arg2: memref<1024xi32, #tpu.memory_space<hbm>>, %arg3: memref<500000x128xf32, #tpu.memory_space<hbm>>, %arg4: memref<1024x128xf32, #tpu.memory_space<hbm>>, %arg5: memref<32xi32, #tpu.memory_space<vmem>>, %arg6: memref<32x128xf32, #tpu.memory_space<vmem>>, %arg7: memref<!tpu.dma_semaphore, #tpu.memory_space<semaphore_mem>>) attributes {dimension_semantics = [#tpu.dimension_semantics<core_parallel>, #tpu.dimension_semantics<subcore_parallel>], iteration_bounds = array<i64: 2, 16>, scalar_prefetch = 0 : i64, scratch_operands = 3 : i64, tpu.core_type = #tpu.core_type<sc_vector_subcore>, window_params = [{transform_indices = #map}, {transform_indices = #map1}, {transform_indices = #map1}]} {
    %mul3A = arith.constant 2 : i32
    %mul3A_0 = arith.muli %arg1, %mul3A : i32
    %add3A = arith.addi %mul3A_0, %arg0 : i32
    %mul3A_1 = arith.constant 32 : i32
    %mul3A_2 = arith.muli %add3A, %mul3A_1 : i32
    "tpu.region"() ({
      %run_scoped3A = tpu.sem_alloc : memref<!tpu.dma_semaphore, #tpu.memory_space<semaphore_mem>>
      %dma_start3A_24 = tpu.memref_slice %arg2[%mul3A_2] : memref<1024xi32, #tpu.memory_space<hbm>> -> memref<32xi32, #tpu.memory_space<hbm>>
      %dma_start3A_25 = tpu.memref_slice %arg2[%mul3A_2] : memref<1024xi32, #tpu.memory_space<hbm>> -> memref<32xi32, #tpu.memory_space<hbm>>
      tpu.enqueue_dma source(%dma_start3A_25 : memref<32xi32, #tpu.memory_space<hbm>>) target(%arg5 : memref<32xi32, #tpu.memory_space<vmem>>) target_semaphore(%run_scoped3A : memref<!tpu.dma_semaphore, #tpu.memory_space<semaphore_mem>>)
      %dma_wait3A_26 = tpu.memref_slice %arg2[%mul3A_2] : memref<1024xi32, #tpu.memory_space<hbm>> -> memref<32xi32, #tpu.memory_space<hbm>>
      %dma_wait3A_27 = tpu.memref_slice %arg2[%mul3A_2] : memref<1024xi32, #tpu.memory_space<hbm>> -> memref<32xi32, #tpu.memory_space<hbm>>
      tpu.wait_dma2 semaphore(%run_scoped3A : memref<!tpu.dma_semaphore, #tpu.memory_space<semaphore_mem>>) src(%dma_wait3A_27 : memref<32xi32, #tpu.memory_space<hbm>>) dst(%arg5 : memref<32xi32, #tpu.memory_space<vmem>>)
      tpu.yield
    }) : () -> ()
    %get3A = arith.constant 0 : index
    %get3A_3 = tpu.vector_load %arg5[%get3A] {strides = array<i32>} : memref<32xi32, #tpu.memory_space<vmem>>, vector<16xi32>,
    %get3A_4 = vector.shape_cast %get3A_3 : vector<16xi32> to vector<16xi32>
    %shift_right_logical3A = arith.constant 1 : i32
    %shift_right_logical3A_5 = vector.broadcast %shift_right_logical3A : i32 to vector<16xi32>
    %shift_right_logical3A_6 = arith.shrui %get3A_4, %shift_right_logical3A_5 : vector<16xi32>
    %swap3A = arith.constant 0 : index
    %swap3A_7 = tpu.vector_load %arg5[%swap3A] {strides = array<i32>} : memref<32xi32, #tpu.memory_space<vmem>>, vector<16xi32>,
    %swap3A_8 = vector.shape_cast %swap3A_7 : vector<16xi32> to vector<16xi32>
    %swap3A_9 = vector.shape_cast %shift_right_logical3A_6 : vector<16xi32> to vector<16xi32>
    tpu.vector_store %arg5[%swap3A], %swap3A_9 {strides = array<i32>} : memref<32xi32, #tpu.memory_space<vmem>>, vector<16xi32>,
    %get3A_10 = arith.constant 16 : index
    %get3A_11 = tpu.vector_load %arg5[%get3A_10] {strides = array<i32>} : memref<32xi32, #tpu.memory_space<vmem>>, vector<16xi32>,
    %get3A_12 = vector.shape_cast %get3A_11 : vector<16xi32> to vector<16xi32>
    %shift_right_logical3A_13 = arith.constant 1 : i32
    %shift_right_logical3A_14 = vector.broadcast %shift_right_logical3A_13 : i32 to vector<16xi32>
    %shift_right_logical3A_15 = arith.shrui %get3A_12, %shift_right_logical3A_14 : vector<16xi32>
    %swap3A_16 = arith.constant 16 : index
    %swap3A_17 = tpu.vector_load %arg5[%swap3A_16] {strides = array<i32>} : memref<32xi32, #tpu.memory_space<vmem>>, vector<16xi32>,
    %swap3A_18 = vector.shape_cast %swap3A_17 : vector<16xi32> to vector<16xi32>
    %swap3A_19 = vector.shape_cast %shift_right_logical3A_15 : vector<16xi32> to vector<16xi32>
    tpu.vector_store %arg5[%swap3A_16], %swap3A_19 {strides = array<i32>} : memref<32xi32, #tpu.memory_space<vmem>>, vector<16xi32>,
    %dma_start3A = arith.constant 0 : i32
    %dma_start3A_20 = arith.constant 0 : i32
    %dma_start3A_21 = tpu.memref_slice %arg3[%dma_start3A, %dma_start3A_20] : memref<500000x128xf32, #tpu.memory_space<hbm>> -> memref<500000x128xf32, #tpu.memory_space<hbm>>
    tpu.enqueue_indirect_dma source(%dma_start3A_21 : memref<500000x128xf32, #tpu.memory_space<hbm>>) target(%arg6 : memref<32x128xf32, #tpu.memory_space<vmem>>) offsets(%arg5 : memref<32xi32, #tpu.memory_space<vmem>>) semaphore(%arg7 : memref<!tpu.dma_semaphore, #tpu.memory_space<semaphore_mem>>)
    %dma_wait3A = arith.constant 0 : i32
    %dma_wait3A_22 = arith.constant 0 : i32
    %dma_wait3A_23 = tpu.memref_slice %arg3[%dma_wait3A, %dma_wait3A_22] : memref<500000x128xf32, #tpu.memory_space<hbm>> -> memref<500000x128xf32, #tpu.memory_space<hbm>>
    tpu.wait_indirect_dma semaphore(%arg7 : memref<!tpu.dma_semaphore, #tpu.memory_space<semaphore_mem>>) src(%dma_wait3A_23 : memref<500000x128xf32, #tpu.memory_space<hbm>>) dst(%arg6 : memref<32x128xf32, #tpu.memory_space<vmem>>)
    "tpu.region"() ({
      %run_scoped3A = tpu.sem_alloc : memref<!tpu.dma_semaphore, #tpu.memory_space<semaphore_mem>>
      %dma_start3A_24 = arith.constant 0 : i32
      %dma_start3A_25 = tpu.memref_slice %arg4[%mul3A_2, %dma_start3A_24] : memref<1024x128xf32, #tpu.memory_space<hbm>> -> memref<32x128xf32, #tpu.memory_space<hbm>>
      %dma_start3A_26 = arith.constant 0 : i32
      %dma_start3A_27 = tpu.memref_slice %arg4[%mul3A_2, %dma_start3A_26] : memref<1024x128xf32, #tpu.memory_space<hbm>> -> memref<32x128xf32, #tpu.memory_space<hbm>>
      tpu.enqueue_dma source(%arg6 : memref<32x128xf32, #tpu.memory_space<vmem>>) target(%dma_start3A_27 : memref<32x128xf32, #tpu.memory_space<hbm>>) target_semaphore(%run_scoped3A : memref<!tpu.dma_semaphore, #tpu.memory_space<semaphore_mem>>)
      %dma_wait3A_28 = arith.constant 0 : i32
      %dma_wait3A_29 = tpu.memref_slice %arg4[%mul3A_2, %dma_wait3A_28] : memref<1024x128xf32, #tpu.memory_space<hbm>> -> memref<32x128xf32, #tpu.memory_space<hbm>>
      %dma_wait3A_30 = arith.constant 0 : i32
      %dma_wait3A_31 = tpu.memref_slice %arg4[%mul3A_2, %dma_wait3A_30] : memref<1024x128xf32, #tpu.memory_space<hbm>> -> memref<32x128xf32, #tpu.memory_space<hbm>>
      tpu.wait_dma2 semaphore(%run_scoped3A : memref<!tpu.dma_semaphore, #tpu.memory_space<semaphore_mem>>) src(%arg6 : memref<32x128xf32, #tpu.memory_space<vmem>>) dst(%dma_wait3A_31 : memref<32x128xf32, #tpu.memory_space<hbm>>)
      tpu.yield
    }) : () -> ()
    return
  }
}

</mosaic_0001>

<sc_bundles>
// kernel: _sc_gather.3.cloned.1.call-start
scs
__scs_entry_jumppad:
0x0: {  	(pc) =	sbr.rel $0x88, $3  }
0x1: {  	(tag) =	ssettag $0x0;
	lr =	simm.s32 $0x1  }
0x2: {  	[smem:$0x3F9F] =	sst lr;
	_ =	strace $0xD0000000  }
0x3: {  	_ = 	snop  }
0x4: {  	_ = 	snop  }
0x5: {  	_ = 	snop  }
0x6: {  	_ = 	snop  }
0x7: {  	_ = 	snop  }
__scs_overlays_trampoline_lowered:
0x8: {  	[smem:$0x3FAE] =	sst s0  }
0x9: {  	[smem:$0x3FAF] =	sst s1  }
0xa: {  	[smem:$0x3FB0] =	sst s2  }
0xb: {  	[smem:$0x3FB1] =	sst s3  }
0xc: {  	[smem:$0x3FB2] =	sst s4  }
0xd: {  	[smem:$0x3FB3] =	sst s5  }
0xe: {  	[smem:$0x3FB4] =	sst s6  }
0xf: {  	[smem:$0x3FB5] =	sst s7  }
0x10: {  	[smem:$0x3FB6] =	sst s8  }
0x11: {  	[smem:$0x3FB7] =	sst s9;
	s0 =	simm.s32 @!p0 $0x0  }
0x12: {  	s1 =	sld [smem:$0x3F9D];
	s0 =	simm.s32 @p0 $0x1  }
0x13: {  	[smem:$0x3FB8] =	sst s0;
	s0 =	simm.s32 @!p1 $0x0  }
0x14: {  	s2 =	sld [smem:$0x3F9C];
	s0 =	simm.s32 @p1 $0x1  }
0x15: {  	[smem:$0x3FB9] =	sst s0;
	s0 =	simm.s32 @!p2 $0x0  }
0x16: {  	s3 =	sld [smem:$0x3FDB];
	s0 =	simm.s32 @p2 $0x1  }
0x17: {  	s4 =	simm.s32 $0x1BF5;
	[smem:$0x3FBB] =	sst s0  }
0x18: {  	s0 =	sld [smem:$0x3F9E];
	_ =	swait.ge [sflag:s4], $0x0  }
0x19: {  	s7 =	sld [smem:$0x3F9F]  }
0x1a: {  	s8 =	sadd.s32 $0xFFFFE003, lr  }
0x1b: {  	s9 =	sadd.s32 $0xFFFFFEF7, lr;
	s5 =	simm.s32 $0xFFFFFFFF;
	p2 =	slt.u32 s8, $0xFFFFF086  }
0x1c: {  	p1 =	slt.u32 s9, $0xF7A;
	s5 =	simm.s32 @!p2 $0x0  }
0x1d: {  	s5 =	simm.s32 @p1 $0x1;
	p0 =	seq.s32 s7, s2  }
0x1e: {  	s7 =	smul.u32 @!p0 $0xF7A, s2;
	p2 =	seq.s32 @!p0 s5, $0x0  }
0x1f: {  	s9 =	smul.u32 $0xF7A, s1;
	s8 =	simm.s32 @!p0 $0x1BF5;
	p2 =	por !p2, p0  }
0x20: {  	[sflag:s8] =	ssyncset.s32 @!p0 $0xFFFFF086;
	s6 =	sadd.s32 @!p0 s3, s7;
	s7 =	simm.s32 @!p0 $0x108  }
0x21: {  	s3 =	sadd.s32 s3, s9;
	s6 =	sadd.s32 @!p0 $0x88, s6;
	s7 =	simm.s32 @p2 $0x1082  }
0x22: {  	[simem:s7], [sflag:s8] =	dma.local @!p0 [hbm:s6], $0xF7A  }
0x23: {  	s9 =	sor.u32 $0xD0000000, s2;
	s6 =	simm.s32 $0x108;
	_ =	swait.ge @!p0 [sflag:s8], $0x0  }
0x24: {  	s3 =	sadd.s32 $0x88, s3;
	s6 =	simm.s32 @!p1 $0x1082;
	[sflag:s4] =	ssyncset.s32 $0xFFFFF086  }
0x25: {  	[simem:s6], [sflag:s4] =	dma.local [hbm:s3], $0xF7A  }
0x26: {  	[smem:$0x3F9F] =	sst s1;
	(tag) =	ssettag s2;
	_ =	strace s9  }
0x27: {  	s1 =	sld [smem:$0x3FAF]  }
0x28: {  	s2 =	sld [smem:$0x3FB0]  }
0x29: {  	s4 =	sld [smem:$0x3FB2]  }
0x2a: {  	p0 =	seq.s32 s5, $0x0;
	s5 =	sld [smem:$0x3FB3]  }
0x2b: {  	s6 =	sld [smem:$0x3FB4]  }
0x2c: {  	s7 =	sld [smem:$0x3FB5]  }
0x2d: {  	s3 =	simm.s32 $0x108;
	s8 =	sld [smem:$0x3FB6]  }
0x2e: {  	s3 =	simm.s32 @!p0 $0x1082;
	s9 =	sld [smem:$0x3FB7]  }
0x2f: {  	lr =	sadd.s32 s0, s3;
	s0 =	sld [smem:$0x3FAE]  }
0x30: {  	s3 =	sld [smem:$0x3FB1]  }
0x31: {  	[smem:$0x3FBA] =	sst s10  }
0x32: {  	s10 =	sld [smem:$0x3FB8];
	_ =	sdelay $0x3  }
0x33: {  	p0 =	seq.s32 s10, $0x1;
	s10 =	sld [smem:$0x3FBA];
	_ =	sdelay $0x3  }
0x34: {  	[smem:$0x3FBA] =	sst s10  }
0x35: {  	s10 =	sld [smem:$0x3FB9];
	_ =	sdelay $0x3  }
0x36: {  	p1 =	seq.s32 s10, $0x1;
	s10 =	sld [smem:$0x3FBA];
	_ =	sdelay $0x3  }
0x37: {  	[smem:$0x3FBA] =	sst s10  }
0x38: {  	s10 =	sld [smem:$0x3FBB]  }
0x39: {  	_ = 	snop;
	(pc) =	sbr.ind lr, $3  }
0x3a: {  	_ = 	snop  }
0x3b: {  	_ = 	snop  }
0x3c: {  	p2 =	seq.s32 s10, $0x1;
	s10 =	sld [smem:$0x3FBA]  }
0x3d: {  	_ =	shalt  }
0x3e: {  	_ =	shalt  }
0x3f: {  	_ =	shalt  }
0x40: {  	_ =	shalt  }
0x41: {  	_ =	shalt  }
0x42: {  	_ =	shalt  }
0x43: {  	_ =	shalt  }
0x44: {  	_ =	shalt  }
0x45: {  	_ =	shalt  }
0x46: {  	_ =	shalt  }
0x47: {  	_ =	shalt  }
0x48: {  	_ =	shalt  }
0x49: {  	_ =	shalt  }
0x4a: {  	_ =	shalt  }
0x4b: {  	_ =	shalt  }
0x4c: {  	_ =	shalt  }
0x4d: {  	_ =	shalt  }
0x4e: {  	_ =	shalt  }
0x4f: {  	_ =	shalt  }
0x50: {  	_ =	shalt  }
0x51: {  	_ =	shalt  }
0x52: {  	_ =	shalt  }
0x53: {  	_ =	shalt  }
0x54: {  	_ =	shalt  }
0x55: {  	_ =	shalt  }
0x56: {  	_ =	shalt  }
0x57: {  	_ =	shalt  }
0x58: {  	_ =	shalt  }
0x59: {  	_ =	shalt  }
0x5a: {  	_ =	shalt  }
0x5b: {  	_ =	shalt  }
0x5c: {  	_ =	shalt  }
0x5d: {  	_ =	shalt  }
0x5e: {  	_ =	shalt  }
0x5f: {  	_ =	shalt  }
0x60: {  	_ =	shalt  }
0x61: {  	_ =	shalt  }
0x62: {  	_ =	shalt  }
0x63: {  	_ =	shalt  }
0x64: {  	_ =	shalt  }
0x65: {  	_ =	shalt  }
0x66: {  	_ =	shalt  }
0x67: {  	_ =	shalt  }
0x68: {  	_ =	shalt  }
0x69: {  	_ =	shalt  }
0x6a: {  	_ =	shalt  }
0x6b: {  	_ =	shalt  }
0x6c: {  	_ =	shalt  }
0x6d: {  	_ =	shalt  }
0x6e: {  	_ =	shalt  }
0x6f: {  	_ =	shalt  }
0x70: {  	_ =	shalt  }
0x71: {  	_ =	shalt  }
0x72: {  	_ =	shalt  }
0x73: {  	_ =	shalt  }
0x74: {  	_ =	shalt  }
0x75: {  	_ =	shalt  }
0x76: {  	_ =	shalt  }
0x77: {  	_ =	shalt  }
0x78: {  	_ =	shalt  }
0x79: {  	_ =	shalt  }
0x7a: {  	_ =	shalt  }
0x7b: {  	_ =	shalt  }
0x7c: {  	_ =	shalt  }
0x7d: {  	_ =	shalt  }
0x7e: {  	_ =	shalt  }
0x7f: {  	_ =	shalt  }
0x80: {  	_ =	shalt  }
0x81: {  	_ =	shalt  }
0x82: {  	_ =	shalt  }
0x83: {  	_ =	shalt  }
0x84: {  	_ =	shalt  }
0x85: {  	_ =	shalt  }
0x86: {  	_ =	shalt  }
0x87: {  	_ =	shalt  }
.Lfunc_end0:
.L_simem_size_0:
called_computation_lowered:
.L_overlay_start_0:
0x88: {  	s2 =	sld [smem:$0x3FD9]  }
0x89: {  	s3 =	sld [smem:$0x3FFE];
	_ =	sdelay $0x1  }
0x8a: {  	s1 =	srdreg.scid  }
0x8b: {  	s0 =	sand.u32 $0x1, s1  }
0x8c: {  	s18 =	sshll.u32 s0, $0xA;
	s2 =	sadd.s32 s3, s2  }
0x8d: {  	s2 =	sadd.s32 s2, s18  }
0x8e: {  	[smem:$0x3FC6] =	sst s2  }
0x8f: {  	_ = 	snop  }
0x90: {  	s2 =	sld [smem:$0x3FC9]  }
0x91: {  	s19 =	sld [smem:$0x3FC8]  }
0x92: {  	s4 =	sld [smem:$0x3FD0];
	(tm) =	ssettm $0x1  }
0x93: {  	s5 =	sld [smem:$0x3FFB];
	_ =	sdelay $0x3  }
0x94: {  	_ =	strace s5  }
0x95: {  	s5 =	sld [smem:$0x3FFC];
	_ =	sdelay $0x3  }
0x96: {  	_ =	strace s5  }
0x97: {  	s5 =	sld [smem:$0x3FFD];
	_ =	sdelay $0x3  }
0x98: {  	_ =	strace s5  }
0x99: {  	_ =	strace $0x8FFFFFFF  }
0x9a: {  	s20 =	sld [smem:$0x3FDB];
	_ =	sdelay $0x1  }
0x9b: {  	s6 =	simm.s32 $_scs_section_size  }
0x9c: {  	s7 =	simm.s32 $_size__tile_overlayer_lowered;
	s8 =	simm.s32 $_tile_overlayer_lowered  }
0x9d: {  	s23 =	simm.s32 $0x1BFF;
	s22 =	sshll.u32 s8, $0x1;
	s5 =	sadd.s32 s6, s20  }
0x9e: {  	s9 =	simm.s32 $0x0;
	s21 =	sshll.u32 s7, $0x1;
	s7 =	sadd.s32 s22, s5  }
0x9f: {  	[timem:s9], [sflag:s23] =	dma.local [hbm:s7], s21  }
0xa0: {  	_ =	swait.ge [sflag:s23], s21  }
0xa1: {  	s6 =	ssub.s32 $0x0, s21;
	[sflag:s23] =	ssyncset.done $0x0  }
0xa2: {  	[sflag:s23] =	ssyncadd.s32 s6;
	_ =	sdelay $0x1  }
0xa3: {  	s24 =	simm.s32 $0x1B8B  }
0xa4: {  	_ =	swait.ge [sflag:s24], $0x1  }
0xa5: {  	[sflag:s24] =	ssyncset.done $0x0  }
0xa6: {  	s25 =	simm.s32 $0x1B8E;
	[sflag:s24] =	ssyncadd.s32 $0xFFFFFFFF  }
0xa7: {  	s26 =	simm.s32 $execute0_lowered;
	[smem:$0x3FD2] =	sst s25  }
0xa8: {  	s6 =	sshll.u32 s26, $0x1;
	_ =	strace $0x80000046;
	[dreg:$0x1] =	wrdreg $0xFFFFFFFF  }
0xa9: {  	s28 =	simm.s32 $_size_execute0_lowered;
	s5 =	sadd.s32 s5, s6;
	[dreg:$0x0] =	wrdreg $0x0  }
0xaa: {  	s6 =	sshll.u32 s28, $0x1;
	[dreg:$0x2] =	wrdreg s5  }
0xab: {  	[dreg:$0x3] =	wrdreg s6  }
0xac: {  	[dreg:$0x4] =	wrdreg $0xC0  }
0xad: {  	_ =	task [dreg:s9], $0x5FFFF  }
0xae: {  	[dreg:$0x1] =	wrdreg $0xFFFFFFFF  }
0xaf: {  	[dreg:$0x0] =	wrdreg $0x60  }
0xb0: {  	[dreg:$0x2] =	wrdreg s2  }
0xb1: {  	[dreg:$0x3] =	wrdreg s19  }
0xb2: {  	[dreg:$0x4] =	wrdreg s4  }
0xb3: {  	[dreg:$0x5] =	wrdreg $0x9  }
0xb4: {  	_ =	task.clear_ibuf [dreg:s9], $0x6FFFF;
	_ =	strace $0x90000046  }
0xb5: {  	s29 =	simm.s32 $0x9;
	_ =	strace $0x80000048  }
0xb6: {  	_ =	swait.ge [sflag:s29], $0x1  }
0xb7: {  	[sflag:s29] =	ssyncadd.s32 $0xFFFFFFFF  }
0xb8: {  	_ =	strace $0x90000048  }
0xb9: {  	_ =	sfence  }
0xba: {  	s30 =	sld [smem:$0x0];
	_ =	sdelay $0x2  }
0xbb: {  	s31 =	sshll.u32 s1, $0xD;
	s1 =	sshrl.u32 s1, $0x2  }
0xbc: {  	s3 =	sand.u32 $0x4000, s31;
	s1 =	sadd.s32 s1, s30  }
0xbd: {  	s0 =	sor.u32 s3, s0;
	s1 =	sshll.u32 s1, $0x11  }
0xbe: {  	s0 =	sor.u32 s1, s0  }
0xbf: {  	s0 =	sadd.s32 $0x8F2B, s0  }
0xc0: {  	[sflag:s0] =	ssyncadd.remote.s32 $0x1  }
0xc1: {  	_ =	sfence.sel $0xFFFF  }
0xc2: {  	[dreg:$0x0] =	wrdreg $0xFFFFFFFF;
	(pc) =	sbr.abs _section_cstart, $3  }
0xc3: {  	[dreg:$0x1] =	wrdreg $0xFFFFFFFF  }
0xc4: {  	_ =	task.clear_ibuf [dreg:s9], $0x2FFFF;
	_ =	strace $0x9FFFFFFF  }
0xc5: {  	(tm) =	ssettm $0x7FFFFFFF  }
tec
execute0_lowered:
.L_overlay_start_1:
0x0: {  	(tag) =	ssettag $0x1  }
0x1: {  	s4 =	rddreg [dreg:$0x0];
	s1 =	srdreg.scid  }
0x2: {  	s2 =	rddreg [dreg:$0x1];
	s0 =	stileid.u32;
	s6 =	sand.u32 $0x1, s1  }
0x3: {  	s9 =	rddreg [dreg:$0x2];
	s5 =	sshll.u32 s0, $0x6;
	s7 =	sshll.u32 s6, $0x5  }
0x4: {  	s3 =	simm.s32 $0x0;
	s1 =	rddreg [dreg:$0x3];
	s10 =	sor.u32 s7, s5  }
0x5: {  	[smem:$0x7FF] =	sst s3;
	s5 =	sshrl.u32 s10, $0x3  }
0x6: {  	_ =	strace $0x80000047;
	s5 =	sadd.s32 s4, s5;
	s4 =	simm.s32 $0x2  }
0x7: {  	[tilespmem:s3], [sflag:$0x2] =	stream.linear.gather [hbm4b:s5+s3], $0x20, $0x38;
	[tilespmem:$0x1080] =	vst v63  }
0x8: {  	_ =	swait.ge [sflag:s4], $0x20  }
0x9: {  	[sflag:s4] =	ssyncset.done $0x0  }
0xa: {  	[sflag:s4] =	ssyncadd.s32 $0xFFFFFFE0  }
0xb: {  	v0 =	vld [tilespmem:$0x0]  }
0xc: {  	v1 =	vld [tilespmem:$0x10];
	_ =	sdelay $0x1  }
0xd: {  	s11 =	ssub.s32 $0x2, s6  }
0xe: {  	s12 =	sshrl.u32 s11, $0x1  }
0xf: {  	s11 =	ssub.s32 s11, s12;
	v0 =	vshrl.u32 v0, $0x1  }
0x10: {  	s8 =	simm.s32 $0x1;
	s31 =	smax.u32 s11, $0x1;
	v63 =	vshrl.u32 v1, $0x1;
	[tilespmem:$0x0] =	vst v0  }
0x11: {  	s6 =	simm.s32 $0x20;
	s7 =	simm.s32 $0x80;
	p0 =	sne.s32 s31, $0x1;
	[tilespmem:$0x10] =	vst v63  }
0x12: {  	[tilespmem:s7], [sflag:$0x1] =	stream.indirect.gather [hbm4b:s2+s6], $0x80, s3, s6, $0xb8;
	[tilespmem:$0x1080] =	vst v63  }
.Ltmp0:
0x13: {  	_ =	swait.ge [sflag:s8], $0x1000;
	(pc) =	sbr.rel @!p0 .LBB2_2-.Ltmp0, $4  }
0x14: {  	s10 =	sshll.u32 s10, $0x4;
	[sflag:s8] =	ssyncset.done $0x0  }
0x15: {  	s9 =	sadd.s32 s9, s10;
	[sflag:s8] =	ssyncadd.s32 $0xFFFFF000  }
0x16: {  	[hbm4b:s9+s3] =	stream.linear.scatter [tilespmem:s7], [sflag:$0x2], $0x1000, $0x38;
	[tilespmem:$0x1080] =	vst v63  }
0x17: {  	s10 =	sadd.s32 $0xFFFFFFFF, s31;
	_ =	swait.ge [sflag:s4], $0x1000  }
.LBB2_1:
0x18: {  	p0 =	sne.s32 s10, $0x1;
	s10 =	sadd.s32 $0xFFFFFFFF, s10;
	[sflag:s4] =	ssyncset.done $0x0  }
0x19: {  	[sflag:s4] =	ssyncadd.s32 $0xFFFFF000  }
0x1a: {  	[tilespmem:s3], [sflag:$0x2] =	stream.linear.gather [hbm4b:s5+s3], $0x20, $0x38;
	[tilespmem:$0x1080] =	vst v63  }
0x1b: {  	_ =	swait.ge [sflag:s4], $0x20  }
0x1c: {  	[sflag:s4] =	ssyncset.done $0x0  }
0x1d: {  	[sflag:s4] =	ssyncadd.s32 $0xFFFFFFE0  }
0x1e: {  	v0 =	vld [tilespmem:$0x0]  }
0x1f: {  	v1 =	vld [tilespmem:$0x10];
	_ =	sdelay $0x3  }
0x20: {  	v0 =	vshrl.u32 v0, $0x1  }
0x21: {  	[tilespmem:$0x0] =	vst v0;
	v0 =	vshrl.u32 v1, $0x1  }
0x22: {  	[tilespmem:$0x10] =	vst v0  }
0x23: {  	[tilespmem:s7], [sflag:$0x1] =	stream.indirect.gather [hbm4b:s2+s6], $0x80, s3, s6, $0xb8;
	[tilespmem:$0x1080] =	vst v63  }
.Ltmp1:
0x24: {  	_ =	swait.ge [sflag:s8], $0x1000;
	(pc) =	sbr.rel @p0 .LBB2_1-.Ltmp1, $4  }
0x25: {  	[sflag:s8] =	ssyncset.done $0x0  }
0x26: {  	[sflag:s8] =	ssyncadd.s32 $0xFFFFF000  }
0x27: {  	[hbm4b:s9+s3] =	stream.linear.scatter [tilespmem:s7], [sflag:$0x2], $0x1000, $0x38;
	[tilespmem:$0x1080] =	vst v63  }
0x28: {  	_ =	swait.ge [sflag:s4], $0x1000  }
.LBB2_2:
0x29: {  	[sflag:s4] =	ssyncset.done $0x0  }
0x2a: {  	[sflag:s4] =	ssyncadd.s32 $0xFFFFF000  }
0x2b: {  	_ =	sfence.sel $0x180000  }
0x2c: {  	[bflag:$0x0] =	sbarrier.arrive $0xFFFF  }
0x2d: {  	p0 =	sne.s32 s0, $0x0;
	_ =	strace $0x90000047  }
0x2e: {  	s0 =	sadd.s32 @!p0 $0x100000, s1;
	[bflag:$0x2] =	sbarrier.arrive $0xFFFF  }
0x2f: {  	[sflag:s0] =	ssyncadd.tile.s32 @!p0 $0x1;
	_ =	shalt  }
.Lfunc_end2:
_tile_overlayer_lowered:
.L_overlay_start_2:
0x30: {  	(tag) =	ssettag $0x2  }
0x31: {  	s0 =	rddreg [dreg:$0x0];
	s2 =	stileid.u32  }
0x32: {  	s1 =	rddreg [dreg:$0x1];
	p0 =	sne.s32 s2, $0x0  }
0x33: {  	s3 =	rddreg [dreg:$0x2];
	[bflag:$0x3] =	sbarrier.arrive $0xFFFF;
	s2 =	simm.s32 @!p0 $0x1C02  }
0x34: {  	[timem:s3], [sflag:s2] =	dma.local @!p0 [hbm:s0], s1  }
0x35: {  	s0 =	simm.s32 @!p0 $0x2  }
0x36: {  	_ =	swait.ge @!p0 [sflag:s0], s1  }
0x37: {  	s1 =	ssub.s32 @!p0 $0x0, s1;
	[sflag:s0] =	ssyncset.done @!p0 $0x0  }
0x38: {  	[sflag:s0] =	ssyncadd.s32 @!p0 s1  }
0x39: {  	[bflag:$0x3] =	sbarrier.arrive $0xFFFF  }
0x3a: {  	_ =	shalt  }

</sc_bundles>
